<compile_context>
chip_gen: v7x
topology: tpu7x:2x2x1
jax: 0.10.2.dev20260603
libtpu: 0.0.44.dev20260713+nightly
codegen_flags: <defaults>
</compile_context>

<pallas_src>
import jax
import jax.numpy as jnp
from jax import lax
from jax.experimental import pallas as pl
from jax.experimental.pallas import tpu as pltpu
from jax.experimental.pallas import tpu_sc as plsc

_NC = 2
_NS = 16
_NW = _NC * _NS
_CH = 128


def _body(tab_hbm, idx_hbm, out_hbm, idx_v, rows_v, sem):
    n_fields, n_chunks, _ = idx_v.shape
    bpw, d = rows_v.shape
    w = lax.axis_index("s") * _NC + lax.axis_index("c")
    pltpu.sync_copy(idx_hbm.at[w], idx_v)
    base = w * bpw

    def field_step(f, carry):
        cps = [
            pltpu.async_copy(
                tab_hbm.at[idx_v.at[f, c]],
                rows_v.at[pl.ds(c * _CH, _CH)],
                sem,
            )
            for c in range(n_chunks)
        ]
        for cp in cps:
            cp.wait()
        pltpu.sync_copy(
            rows_v, out_hbm.at[pl.ds(base, bpw), pl.ds(f * d, d)]
        )
        return carry

    lax.fori_loop(0, n_fields, field_step, 0)


def kernel(metas, tables):
    f, b = metas.shape
    v, d = tables.shape[1], tables.shape[2]
    bpw = b // _NW
    n_chunks = bpw // _CH

    idx = metas.astype(jnp.int32) + (jnp.arange(f, dtype=jnp.int32) * v)[:, None]
    idx = idx.reshape(f, _NW, n_chunks, _CH).transpose(1, 0, 2, 3)
    tab = tables.reshape(f * v, d)

    run = pl.kernel(
        _body,
        out_type=jax.ShapeDtypeStruct((b, f * d), jnp.float32),
        mesh=plsc.VectorSubcoreMesh(core_axis_name="c", subcore_axis_name="s"),
        scratch_types=[
            pltpu.VMEM((f, n_chunks, _CH), jnp.int32),
            pltpu.VMEM((bpw, d), jnp.float32),
            pltpu.SemaphoreType.DMA,
        ],
        compiler_params=pltpu.CompilerParams(use_tc_tiling_on_sc=False),
    )
    return run(tab, idx)

# --- scband reference (transcript-rebuilt; emitter-appended) ---
"""Pipeline reference for scband-meta-embedding-5136780886474 (READ-ONLY COPY).

The authoritative reference and input builder live on the scoring server;
editing this copy changes nothing except your own understanding.
"""

import jax, jax.numpy as jnp
import numpy as np

N_FIELDS = 26
VOCAB = 100000
DIM = 32
BATCH = 16384


def setup_inputs(seed: int = 0) -> dict:
    key = jax.random.key(seed)
    k_idx, k_tab = jax.random.split(key)
    metas = jax.random.randint(k_idx, (N_FIELDS, BATCH), 0, VOCAB, dtype=jnp.int64 if jax.config.jax_enable_x64 else jnp.int32)
    # Stacked embedding tables, one per field (all fields share num/size here,
    # matching the metaEmbedding init with identical (num, size, pad=False) entries).
    tables = jax.random.normal(k_tab, (N_FIELDS, VOCAB, DIM), dtype=jnp.float32)
    return {"metas": metas, "tables": tables}


def reference(metas, tables):
    # For each field f: embeddings[f] = tables[f][metas[f]]  -> [BATCH, DIM]
    # Then concat along last dim -> [BATCH, N_FIELDS * DIM]
    gathered = jax.vmap(lambda tab, idx: jnp.take(tab, idx, axis=0))(tables, metas)  # [N_FIELDS, BATCH, DIM]
    out = jnp.transpose(gathered, (1, 0, 2)).reshape(metas.shape[1], N_FIELDS * DIM)
    return out

if __name__ == "__main__":
    import jax
    _d = setup_inputs()
    print(jax.jit(kernel)(*tuple(_d.values())))

</pallas_src>

<mosaic_0001>
#map = affine_map<(d0, d1) -> (0, 0)>
#map1 = affine_map<(d0, d1) -> (0, 0, 0, 0)>
module attributes {stable_mosaic.version = 14 : i64} {
  func.func @_body(%arg0: i32, %arg1: i32, %arg2: memref<2600000x32xf32, #tpu.memory_space<hbm>>, %arg3: memref<32x26x4x128xi32, #tpu.memory_space<hbm>>, %arg4: memref<16384x832xf32, #tpu.memory_space<hbm>>, %arg5: memref<26x4x128xi32, #tpu.memory_space<vmem>>, %arg6: memref<512x32xf32, #tpu.memory_space<vmem>>, %arg7: memref<!tpu.dma_semaphore, #tpu.memory_space<semaphore_mem>>) attributes {dimension_semantics = [#tpu.dimension_semantics<core_parallel>, #tpu.dimension_semantics<subcore_parallel>], iteration_bounds = array<i64: 2, 16>, scalar_prefetch = 0 : i64, scratch_operands = 3 : i64, tpu.core_type = #tpu.core_type<sc_vector_subcore>, window_params = [{transform_indices = #map}, {transform_indices = #map1}, {transform_indices = #map}]} {
    %mul3A = arith.constant 2 : i32
    %mul3A_0 = arith.muli %arg1, %mul3A : i32
    %add3A = arith.addi %mul3A_0, %arg0 : i32
    "tpu.region"() ({
      %run_scoped3A = tpu.sem_alloc : memref<!tpu.dma_semaphore, #tpu.memory_space<semaphore_mem>>
      %dma_start3A = arith.constant 0 : i32
      %dma_start3A_8 = arith.constant 0 : i32
      %dma_start3A_9 = arith.constant 0 : i32
      %dma_start3A_10 = tpu.memref_slice %arg3[%add3A, %dma_start3A, %dma_start3A_8, %dma_start3A_9] : memref<32x26x4x128xi32, #tpu.memory_space<hbm>> -> memref<1x26x4x128xi32, #tpu.memory_space<hbm>>
      %dma_start3A_11 = tpu.memref_squeeze %dma_start3A_10 : memref<1x26x4x128xi32, #tpu.memory_space<hbm>> -> memref<26x4x128xi32, #tpu.memory_space<hbm>>
      %dma_start3A_12 = arith.constant 0 : i32
      %dma_start3A_13 = arith.constant 0 : i32
      %dma_start3A_14 = arith.constant 0 : i32
      %dma_start3A_15 = tpu.memref_slice %arg3[%add3A, %dma_start3A_12, %dma_start3A_13, %dma_start3A_14] : memref<32x26x4x128xi32, #tpu.memory_space<hbm>> -> memref<1x26x4x128xi32, #tpu.memory_space<hbm>>
      %dma_start3A_16 = tpu.memref_squeeze %dma_start3A_15 : memref<1x26x4x128xi32, #tpu.memory_space<hbm>> -> memref<26x4x128xi32, #tpu.memory_space<hbm>>
      tpu.enqueue_dma source(%dma_start3A_16 : memref<26x4x128xi32, #tpu.memory_space<hbm>>) target(%arg5 : memref<26x4x128xi32, #tpu.memory_space<vmem>>) target_semaphore(%run_scoped3A : memref<!tpu.dma_semaphore, #tpu.memory_space<semaphore_mem>>)
      %dma_wait3A = arith.constant 0 : i32
      %dma_wait3A_17 = arith.constant 0 : i32
      %dma_wait3A_18 = arith.constant 0 : i32
      %dma_wait3A_19 = tpu.memref_slice %arg3[%add3A, %dma_wait3A, %dma_wait3A_17, %dma_wait3A_18] : memref<32x26x4x128xi32, #tpu.memory_space<hbm>> -> memref<1x26x4x128xi32, #tpu.memory_space<hbm>>
      %dma_wait3A_20 = tpu.memref_squeeze %dma_wait3A_19 : memref<1x26x4x128xi32, #tpu.memory_space<hbm>> -> memref<26x4x128xi32, #tpu.memory_space<hbm>>
      %dma_wait3A_21 = arith.constant 0 : i32
      %dma_wait3A_22 = arith.constant 0 : i32
      %dma_wait3A_23 = arith.constant 0 : i32
      %dma_wait3A_24 = tpu.memref_slice %arg3[%add3A, %dma_wait3A_21, %dma_wait3A_22, %dma_wait3A_23] : memref<32x26x4x128xi32, #tpu.memory_space<hbm>> -> memref<1x26x4x128xi32, #tpu.memory_space<hbm>>
      %dma_wait3A_25 = tpu.memref_squeeze %dma_wait3A_24 : memref<1x26x4x128xi32, #tpu.memory_space<hbm>> -> memref<26x4x128xi32, #tpu.memory_space<hbm>>
      tpu.wait_dma2 semaphore(%run_scoped3A : memref<!tpu.dma_semaphore, #tpu.memory_space<semaphore_mem>>) src(%dma_wait3A_25 : memref<26x4x128xi32, #tpu.memory_space<hbm>>) dst(%arg5 : memref<26x4x128xi32, #tpu.memory_space<vmem>>)
      tpu.yield
    }) : () -> ()
    %mul3A_1 = arith.constant 512 : i32
    %mul3A_2 = arith.muli %add3A, %mul3A_1 : i32
    %scan3A = arith.constant 0 : i32
    %scan3A_3 = arith.constant 0 : i32
    %scan3A_4 = arith.constant 26 : i32
    %scan3A_5 = arith.addi %scan3A_3, %scan3A_4 : i32
    %scan3A_6 = arith.constant 1 : i32
    scf.for %scan3A_8 = %scan3A_3 to %scan3A_5 step %scan3A_6  : i32 {
      %dma_start3A = arith.constant 0 : i32
      %dma_start3A_9 = arith.constant 0 : i32
      %dma_start3A_10 = arith.constant 0 : i32
      %dma_start3A_11 = tpu.memref_slice %arg6[%dma_start3A_9, %dma_start3A_10] : memref<512x32xf32, #tpu.memory_space<vmem>> -> memref<128x32xf32, #tpu.memory_space<vmem>>
      %dma_start3A_12 = arith.constant 0 : i32
      %dma_start3A_13 = tpu.memref_slice %arg5[%scan3A_8, %dma_start3A, %dma_start3A_12] : memref<26x4x128xi32, #tpu.memory_space<vmem>> -> memref<1x1x128xi32, #tpu.memory_space<vmem>>
      %dma_start3A_14 = tpu.memref_squeeze %dma_start3A_13 : memref<1x1x128xi32, #tpu.memory_space<vmem>> -> memref<128xi32, #tpu.memory_space<vmem>>
      %dma_start3A_15 = arith.constant 0 : i32
      %dma_start3A_16 = arith.constant 0 : i32
      %dma_start3A_17 = tpu.memref_slice %arg2[%dma_start3A_15, %dma_start3A_16] : memref<2600000x32xf32, #tpu.memory_space<hbm>> -> memref<2600000x32xf32, #tpu.memory_space<hbm>>
      tpu.enqueue_indirect_dma source(%dma_start3A_17 : memref<2600000x32xf32, #tpu.memory_space<hbm>>) target(%dma_start3A_11 : memref<128x32xf32, #tpu.memory_space<vmem>>) offsets(%dma_start3A_14 : memref<128xi32, #tpu.memory_space<vmem>>) semaphore(%arg7 : memref<!tpu.dma_semaphore, #tpu.memory_space<semaphore_mem>>)
      %dma_start3A_18 = arith.constant 1 : i32
      %dma_start3A_19 = arith.constant 128 : i32
      %dma_start3A_20 = arith.constant 0 : i32
      %dma_start3A_21 = tpu.memref_slice %arg6[%dma_start3A_19, %dma_start3A_20] : memref<512x32xf32, #tpu.memory_space<vmem>> -> memref<128x32xf32, #tpu.memory_space<vmem>>
      %dma_start3A_22 = arith.constant 0 : i32
      %dma_start3A_23 = tpu.memref_slice %arg5[%scan3A_8, %dma_start3A_18, %dma_start3A_22] : memref<26x4x128xi32, #tpu.memory_space<vmem>> -> memref<1x1x128xi32, #tpu.memory_space<vmem>>
      %dma_start3A_24 = tpu.memref_squeeze %dma_start3A_23 : memref<1x1x128xi32, #tpu.memory_space<vmem>> -> memref<128xi32, #tpu.memory_space<vmem>>
      %dma_start3A_25 = arith.constant 0 : i32
      %dma_start3A_26 = arith.constant 0 : i32
      %dma_start3A_27 = tpu.memref_slice %arg2[%dma_start3A_25, %dma_start3A_26] : memref<2600000x32xf32, #tpu.memory_space<hbm>> -> memref<2600000x32xf32, #tpu.memory_space<hbm>>
      tpu.enqueue_indirect_dma source(%dma_start3A_27 : memref<2600000x32xf32, #tpu.memory_space<hbm>>) target(%dma_start3A_21 : memref<128x32xf32, #tpu.memory_space<vmem>>) offsets(%dma_start3A_24 : memref<128xi32, #tpu.memory_space<vmem>>) semaphore(%arg7 : memref<!tpu.dma_semaphore, #tpu.memory_space<semaphore_mem>>)
      %dma_start3A_28 = arith.constant 2 : i32
      %dma_start3A_29 = arith.constant 256 : i32
      %dma_start3A_30 = arith.constant 0 : i32
      %dma_start3A_31 = tpu.memref_slice %arg6[%dma_start3A_29, %dma_start3A_30] : memref<512x32xf32, #tpu.memory_space<vmem>> -> memref<128x32xf32, #tpu.memory_space<vmem>>
      %dma_start3A_32 = arith.constant 0 : i32
      %dma_start3A_33 = tpu.memref_slice %arg5[%scan3A_8, %dma_start3A_28, %dma_start3A_32] : memref<26x4x128xi32, #tpu.memory_space<vmem>> -> memref<1x1x128xi32, #tpu.memory_space<vmem>>
      %dma_start3A_34 = tpu.memref_squeeze %dma_start3A_33 : memref<1x1x128xi32, #tpu.memory_space<vmem>> -> memref<128xi32, #tpu.memory_space<vmem>>
      %dma_start3A_35 = arith.constant 0 : i32
      %dma_start3A_36 = arith.constant 0 : i32
      %dma_start3A_37 = tpu.memref_slice %arg2[%dma_start3A_35, %dma_start3A_36] : memref<2600000x32xf32, #tpu.memory_space<hbm>> -> memref<2600000x32xf32, #tpu.memory_space<hbm>>
      tpu.enqueue_indirect_dma source(%dma_start3A_37 : memref<2600000x32xf32, #tpu.memory_space<hbm>>) target(%dma_start3A_31 : memref<128x32xf32, #tpu.memory_space<vmem>>) offsets(%dma_start3A_34 : memref<128xi32, #tpu.memory_space<vmem>>) semaphore(%arg7 : memref<!tpu.dma_semaphore, #tpu.memory_space<semaphore_mem>>)
      %dma_start3A_38 = arith.constant 3 : i32
      %dma_start3A_39 = arith.constant 384 : i32
      %dma_start3A_40 = arith.constant 0 : i32
      %dma_start3A_41 = tpu.memref_slice %arg6[%dma_start3A_39, %dma_start3A_40] : memref<512x32xf32, #tpu.memory_space<vmem>> -> memref<128x32xf32, #tpu.memory_space<vmem>>
      %dma_start3A_42 = arith.constant 0 : i32
      %dma_start3A_43 = tpu.memref_slice %arg5[%scan3A_8, %dma_start3A_38, %dma_start3A_42] : memref<26x4x128xi32, #tpu.memory_space<vmem>> -> memref<1x1x128xi32, #tpu.memory_space<vmem>>
      %dma_start3A_44 = tpu.memref_squeeze %dma_start3A_43 : memref<1x1x128xi32, #tpu.memory_space<vmem>> -> memref<128xi32, #tpu.memory_space<vmem>>
      %dma_start3A_45 = arith.constant 0 : i32
      %dma_start3A_46 = arith.constant 0 : i32
      %dma_start3A_47 = tpu.memref_slice %arg2[%dma_start3A_45, %dma_start3A_46] : memref<2600000x32xf32, #tpu.memory_space<hbm>> -> memref<2600000x32xf32, #tpu.memory_space<hbm>>
      tpu.enqueue_indirect_dma source(%dma_start3A_47 : memref<2600000x32xf32, #tpu.memory_space<hbm>>) target(%dma_start3A_41 : memref<128x32xf32, #tpu.memory_space<vmem>>) offsets(%dma_start3A_44 : memref<128xi32, #tpu.memory_space<vmem>>) semaphore(%arg7 : memref<!tpu.dma_semaphore, #tpu.memory_space<semaphore_mem>>)
      %dma_wait3A = arith.constant 0 : i32
      %dma_wait3A_48 = arith.constant 0 : i32
      %dma_wait3A_49 = arith.constant 0 : i32
      %dma_wait3A_50 = tpu.memref_slice %arg6[%dma_wait3A_48, %dma_wait3A_49] : memref<512x32xf32, #tpu.memory_space<vmem>> -> memref<128x32xf32, #tpu.memory_space<vmem>>
      %dma_wait3A_51 = arith.constant 0 : i32
      %dma_wait3A_52 = tpu.memref_slice %arg5[%scan3A_8, %dma_wait3A, %dma_wait3A_51] : memref<26x4x128xi32, #tpu.memory_space<vmem>> -> memref<1x1x128xi32, #tpu.memory_space<vmem>>
      %dma_wait3A_53 = tpu.memref_squeeze %dma_wait3A_52 : memref<1x1x128xi32, #tpu.memory_space<vmem>> -> memref<128xi32, #tpu.memory_space<vmem>>
      %dma_wait3A_54 = arith.constant 0 : i32
      %dma_wait3A_55 = arith.constant 0 : i32
      %dma_wait3A_56 = tpu.memref_slice %arg2[%dma_wait3A_54, %dma_wait3A_55] : memref<2600000x32xf32, #tpu.memory_space<hbm>> -> memref<2600000x32xf32, #tpu.memory_space<hbm>>
      tpu.wait_indirect_dma semaphore(%arg7 : memref<!tpu.dma_semaphore, #tpu.memory_space<semaphore_mem>>) src(%dma_wait3A_56 : memref<2600000x32xf32, #tpu.memory_space<hbm>>) dst(%dma_wait3A_50 : memref<128x32xf32, #tpu.memory_space<vmem>>)
      %dma_wait3A_57 = arith.constant 1 : i32
      %dma_wait3A_58 = arith.constant 128 : i32
      %dma_wait3A_59 = arith.constant 0 : i32
      %dma_wait3A_60 = tpu.memref_slice %arg6[%dma_wait3A_58, %dma_wait3A_59] : memref<512x32xf32, #tpu.memory_space<vmem>> -> memref<128x32xf32, #tpu.memory_space<vmem>>
      %dma_wait3A_61 = arith.constant 0 : i32
      %dma_wait3A_62 = tpu.memref_slice %arg5[%scan3A_8, %dma_wait3A_57, %dma_wait3A_61] : memref<26x4x128xi32, #tpu.memory_space<vmem>> -> memref<1x1x128xi32, #tpu.memory_space<vmem>>
      %dma_wait3A_63 = tpu.memref_squeeze %dma_wait3A_62 : memref<1x1x128xi32, #tpu.memory_space<vmem>> -> memref<128xi32, #tpu.memory_space<vmem>>
      %dma_wait3A_64 = arith.constant 0 : i32
      %dma_wait3A_65 = arith.constant 0 : i32
      %dma_wait3A_66 = tpu.memref_slice %arg2[%dma_wait3A_64, %dma_wait3A_65] : memref<2600000x32xf32, #tpu.memory_space<hbm>> -> memref<2600000x32xf32, #tpu.memory_space<hbm>>
      tpu.wait_indirect_dma semaphore(%arg7 : memref<!tpu.dma_semaphore, #tpu.memory_space<semaphore_mem>>) src(%dma_wait3A_66 : memref<2600000x32xf32, #tpu.memory_space<hbm>>) dst(%dma_wait3A_60 : memref<128x32xf32, #tpu.memory_space<vmem>>)
      %dma_wait3A_67 = arith.constant 2 : i32
      %dma_wait3A_68 = arith.constant 256 : i32
      %dma_wait3A_69 = arith.constant 0 : i32
      %dma_wait3A_70 = tpu.memref_slice %arg6[%dma_wait3A_68, %dma_wait3A_69] : memref<512x32xf32, #tpu.memory_space<vmem>> -> memref<128x32xf32, #tpu.memory_space<vmem>>
      %dma_wait3A_71 = arith.constant 0 : i32
      %dma_wait3A_72 = tpu.memref_slice %arg5[%scan3A_8, %dma_wait3A_67, %dma_wait3A_71] : memref<26x4x128xi32, #tpu.memory_space<vmem>> -> memref<1x1x128xi32, #tpu.memory_space<vmem>>
      %dma_wait3A_73 = tpu.memref_squeeze %dma_wait3A_72 : memref<1x1x128xi32, #tpu.memory_space<vmem>> -> memref<128xi32, #tpu.memory_space<vmem>>
      %dma_wait3A_74 = arith.constant 0 : i32
      %dma_wait3A_75 = arith.constant 0 : i32
      %dma_wait3A_76 = tpu.memref_slice %arg2[%dma_wait3A_74, %dma_wait3A_75] : memref<2600000x32xf32, #tpu.memory_space<hbm>> -> memref<2600000x32xf32, #tpu.memory_space<hbm>>
      tpu.wait_indirect_dma semaphore(%arg7 : memref<!tpu.dma_semaphore, #tpu.memory_space<semaphore_mem>>) src(%dma_wait3A_76 : memref<2600000x32xf32, #tpu.memory_space<hbm>>) dst(%dma_wait3A_70 : memref<128x32xf32, #tpu.memory_space<vmem>>)
      %dma_wait3A_77 = arith.constant 3 : i32
      %dma_wait3A_78 = arith.constant 384 : i32
      %dma_wait3A_79 = arith.constant 0 : i32
      %dma_wait3A_80 = tpu.memref_slice %arg6[%dma_wait3A_78, %dma_wait3A_79] : memref<512x32xf32, #tpu.memory_space<vmem>> -> memref<128x32xf32, #tpu.memory_space<vmem>>
      %dma_wait3A_81 = arith.constant 0 : i32
      %dma_wait3A_82 = tpu.memref_slice %arg5[%scan3A_8, %dma_wait3A_77, %dma_wait3A_81] : memref<26x4x128xi32, #tpu.memory_space<vmem>> -> memref<1x1x128xi32, #tpu.memory_space<vmem>>
      %dma_wait3A_83 = tpu.memref_squeeze %dma_wait3A_82 : memref<1x1x128xi32, #tpu.memory_space<vmem>> -> memref<128xi32, #tpu.memory_space<vmem>>
      %dma_wait3A_84 = arith.constant 0 : i32
      %dma_wait3A_85 = arith.constant 0 : i32
      %dma_wait3A_86 = tpu.memref_slice %arg2[%dma_wait3A_84, %dma_wait3A_85] : memref<2600000x32xf32, #tpu.memory_space<hbm>> -> memref<2600000x32xf32, #tpu.memory_space<hbm>>
      tpu.wait_indirect_dma semaphore(%arg7 : memref<!tpu.dma_semaphore, #tpu.memory_space<semaphore_mem>>) src(%dma_wait3A_86 : memref<2600000x32xf32, #tpu.memory_space<hbm>>) dst(%dma_wait3A_80 : memref<128x32xf32, #tpu.memory_space<vmem>>)
      %mul3A_87 = arith.constant 32 : i32
      %mul3A_88 = arith.muli %scan3A_8, %mul3A_87 : i32
      "tpu.region"() ({
        %run_scoped3A = tpu.sem_alloc : memref<!tpu.dma_semaphore, #tpu.memory_space<semaphore_mem>>
        %dma_start3A_89 = tpu.memref_slice %arg4[%mul3A_2, %mul3A_88] : memref<16384x832xf32, #tpu.memory_space<hbm>> -> memref<512x32xf32, #tpu.memory_space<hbm>>
        %dma_start3A_90 = tpu.memref_slice %arg4[%mul3A_2, %mul3A_88] : memref<16384x832xf32, #tpu.memory_space<hbm>> -> memref<512x32xf32, #tpu.memory_space<hbm>>
        tpu.enqueue_dma source(%arg6 : memref<512x32xf32, #tpu.memory_space<vmem>>) target(%dma_start3A_90 : memref<512x32xf32, #tpu.memory_space<hbm>>) target_semaphore(%run_scoped3A : memref<!tpu.dma_semaphore, #tpu.memory_space<semaphore_mem>>)
        %dma_wait3A_91 = tpu.memref_slice %arg4[%mul3A_2, %mul3A_88] : memref<16384x832xf32, #tpu.memory_space<hbm>> -> memref<512x32xf32, #tpu.memory_space<hbm>>
        %dma_wait3A_92 = tpu.memref_slice %arg4[%mul3A_2, %mul3A_88] : memref<16384x832xf32, #tpu.memory_space<hbm>> -> memref<512x32xf32, #tpu.memory_space<hbm>>
        tpu.wait_dma2 semaphore(%run_scoped3A : memref<!tpu.dma_semaphore, #tpu.memory_space<semaphore_mem>>) src(%arg6 : memref<512x32xf32, #tpu.memory_space<vmem>>) dst(%dma_wait3A_92 : memref<512x32xf32, #tpu.memory_space<hbm>>)
        tpu.yield
      }) : () -> ()
    }
    %scan3A_7 = arith.constant 26 : i32
    return
  }
}

</mosaic_0001>

<sc_bundles>
// kernel: kernel.3.cloned.1.call-start
scs
__scs_entry_jumppad:
0x0: {  	(pc) =	sbr.rel $0x88, $3  }
0x1: {  	(tag) =	ssettag $0x0;
	lr =	simm.s32 $0x1  }
0x2: {  	[smem:$0x3F9F] =	sst lr;
	_ =	strace $0xD0000000  }
0x3: {  	_ = 	snop  }
0x4: {  	_ = 	snop  }
0x5: {  	_ = 	snop  }
0x6: {  	_ = 	snop  }
0x7: {  	_ = 	snop  }
__scs_overlays_trampoline_lowered:
0x8: {  	[smem:$0x3FAE] =	sst s0  }
0x9: {  	[smem:$0x3FAF] =	sst s1  }
0xa: {  	[smem:$0x3FB0] =	sst s2  }
0xb: {  	[smem:$0x3FB1] =	sst s3  }
0xc: {  	[smem:$0x3FB2] =	sst s4  }
0xd: {  	[smem:$0x3FB3] =	sst s5  }
0xe: {  	[smem:$0x3FB4] =	sst s6  }
0xf: {  	[smem:$0x3FB5] =	sst s7  }
0x10: {  	[smem:$0x3FB6] =	sst s8  }
0x11: {  	[smem:$0x3FB7] =	sst s9;
	s0 =	simm.s32 @!p0 $0x0  }
0x12: {  	s1 =	sld [smem:$0x3F9D];
	s0 =	simm.s32 @p0 $0x1  }
0x13: {  	[smem:$0x3FB8] =	sst s0;
	s0 =	simm.s32 @!p1 $0x0  }
0x14: {  	s2 =	sld [smem:$0x3F9C];
	s0 =	simm.s32 @p1 $0x1  }
0x15: {  	[smem:$0x3FB9] =	sst s0;
	s0 =	simm.s32 @!p2 $0x0  }
0x16: {  	s3 =	sld [smem:$0x3FDB];
	s0 =	simm.s32 @p2 $0x1  }
0x17: {  	s4 =	simm.s32 $0x1BF5;
	[smem:$0x3FBB] =	sst s0  }
0x18: {  	s0 =	sld [smem:$0x3F9E];
	_ =	swait.ge [sflag:s4], $0x0  }
0x19: {  	s7 =	sld [smem:$0x3F9F]  }
0x1a: {  	s8 =	sadd.s32 $0xFFFFE003, lr  }
0x1b: {  	s9 =	sadd.s32 $0xFFFFFEF7, lr;
	s5 =	simm.s32 $0xFFFFFFFF;
	p2 =	slt.u32 s8, $0xFFFFF086  }
0x1c: {  	p1 =	slt.u32 s9, $0xF7A;
	s5 =	simm.s32 @!p2 $0x0  }
0x1d: {  	s5 =	simm.s32 @p1 $0x1;
	p0 =	seq.s32 s7, s2  }
0x1e: {  	s7 =	smul.u32 @!p0 $0xF7A, s2;
	p2 =	seq.s32 @!p0 s5, $0x0  }
0x1f: {  	s9 =	smul.u32 $0xF7A, s1;
	s8 =	simm.s32 @!p0 $0x1BF5;
	p2 =	por !p2, p0  }
0x20: {  	[sflag:s8] =	ssyncset.s32 @!p0 $0xFFFFF086;
	s6 =	sadd.s32 @!p0 s3, s7;
	s7 =	simm.s32 @!p0 $0x108  }
0x21: {  	s3 =	sadd.s32 s3, s9;
	s6 =	sadd.s32 @!p0 $0x88, s6;
	s7 =	simm.s32 @p2 $0x1082  }
0x22: {  	[simem:s7], [sflag:s8] =	dma.local @!p0 [hbm:s6], $0xF7A  }
0x23: {  	s9 =	sor.u32 $0xD0000000, s2;
	s6 =	simm.s32 $0x108;
	_ =	swait.ge @!p0 [sflag:s8], $0x0  }
0x24: {  	s3 =	sadd.s32 $0x88, s3;
	s6 =	simm.s32 @!p1 $0x1082;
	[sflag:s4] =	ssyncset.s32 $0xFFFFF086  }
0x25: {  	[simem:s6], [sflag:s4] =	dma.local [hbm:s3], $0xF7A  }
0x26: {  	[smem:$0x3F9F] =	sst s1;
	(tag) =	ssettag s2;
	_ =	strace s9  }
0x27: {  	s1 =	sld [smem:$0x3FAF]  }
0x28: {  	s2 =	sld [smem:$0x3FB0]  }
0x29: {  	s4 =	sld [smem:$0x3FB2]  }
0x2a: {  	p0 =	seq.s32 s5, $0x0;
	s5 =	sld [smem:$0x3FB3]  }
0x2b: {  	s6 =	sld [smem:$0x3FB4]  }
0x2c: {  	s7 =	sld [smem:$0x3FB5]  }
0x2d: {  	s3 =	simm.s32 $0x108;
	s8 =	sld [smem:$0x3FB6]  }
0x2e: {  	s3 =	simm.s32 @!p0 $0x1082;
	s9 =	sld [smem:$0x3FB7]  }
0x2f: {  	lr =	sadd.s32 s0, s3;
	s0 =	sld [smem:$0x3FAE]  }
0x30: {  	s3 =	sld [smem:$0x3FB1]  }
0x31: {  	[smem:$0x3FBA] =	sst s10  }
0x32: {  	s10 =	sld [smem:$0x3FB8];
	_ =	sdelay $0x3  }
0x33: {  	p0 =	seq.s32 s10, $0x1;
	s10 =	sld [smem:$0x3FBA];
	_ =	sdelay $0x3  }
0x34: {  	[smem:$0x3FBA] =	sst s10  }
0x35: {  	s10 =	sld [smem:$0x3FB9];
	_ =	sdelay $0x3  }
0x36: {  	p1 =	seq.s32 s10, $0x1;
	s10 =	sld [smem:$0x3FBA];
	_ =	sdelay $0x3  }
0x37: {  	[smem:$0x3FBA] =	sst s10  }
0x38: {  	s10 =	sld [smem:$0x3FBB]  }
0x39: {  	_ = 	snop;
	(pc) =	sbr.ind lr, $3  }
0x3a: {  	_ = 	snop  }
0x3b: {  	_ = 	snop  }
0x3c: {  	p2 =	seq.s32 s10, $0x1;
	s10 =	sld [smem:$0x3FBA]  }
0x3d: {  	_ =	shalt  }
0x3e: {  	_ =	shalt  }
0x3f: {  	_ =	shalt  }
0x40: {  	_ =	shalt  }
0x41: {  	_ =	shalt  }
0x42: {  	_ =	shalt  }
0x43: {  	_ =	shalt  }
0x44: {  	_ =	shalt  }
0x45: {  	_ =	shalt  }
0x46: {  	_ =	shalt  }
0x47: {  	_ =	shalt  }
0x48: {  	_ =	shalt  }
0x49: {  	_ =	shalt  }
0x4a: {  	_ =	shalt  }
0x4b: {  	_ =	shalt  }
0x4c: {  	_ =	shalt  }
0x4d: {  	_ =	shalt  }
0x4e: {  	_ =	shalt  }
0x4f: {  	_ =	shalt  }
0x50: {  	_ =	shalt  }
0x51: {  	_ =	shalt  }
0x52: {  	_ =	shalt  }
0x53: {  	_ =	shalt  }
0x54: {  	_ =	shalt  }
0x55: {  	_ =	shalt  }
0x56: {  	_ =	shalt  }
0x57: {  	_ =	shalt  }
0x58: {  	_ =	shalt  }
0x59: {  	_ =	shalt  }
0x5a: {  	_ =	shalt  }
0x5b: {  	_ =	shalt  }
0x5c: {  	_ =	shalt  }
0x5d: {  	_ =	shalt  }
0x5e: {  	_ =	shalt  }
0x5f: {  	_ =	shalt  }
0x60: {  	_ =	shalt  }
0x61: {  	_ =	shalt  }
0x62: {  	_ =	shalt  }
0x63: {  	_ =	shalt  }
0x64: {  	_ =	shalt  }
0x65: {  	_ =	shalt  }
0x66: {  	_ =	shalt  }
0x67: {  	_ =	shalt  }
0x68: {  	_ =	shalt  }
0x69: {  	_ =	shalt  }
0x6a: {  	_ =	shalt  }
0x6b: {  	_ =	shalt  }
0x6c: {  	_ =	shalt  }
0x6d: {  	_ =	shalt  }
0x6e: {  	_ =	shalt  }
0x6f: {  	_ =	shalt  }
0x70: {  	_ =	shalt  }
0x71: {  	_ =	shalt  }
0x72: {  	_ =	shalt  }
0x73: {  	_ =	shalt  }
0x74: {  	_ =	shalt  }
0x75: {  	_ =	shalt  }
0x76: {  	_ =	shalt  }
0x77: {  	_ =	shalt  }
0x78: {  	_ =	shalt  }
0x79: {  	_ =	shalt  }
0x7a: {  	_ =	shalt  }
0x7b: {  	_ =	shalt  }
0x7c: {  	_ =	shalt  }
0x7d: {  	_ =	shalt  }
0x7e: {  	_ =	shalt  }
0x7f: {  	_ =	shalt  }
0x80: {  	_ =	shalt  }
0x81: {  	_ =	shalt  }
0x82: {  	_ =	shalt  }
0x83: {  	_ =	shalt  }
0x84: {  	_ =	shalt  }
0x85: {  	_ =	shalt  }
0x86: {  	_ =	shalt  }
0x87: {  	_ =	shalt  }
.Lfunc_end0:
.L_simem_size_0:
called_computation.1_lowered:
.L_overlay_start_0:
0x88: {  	s2 =	sld [smem:$0x3FD9]  }
0x89: {  	s3 =	sld [smem:$0x3FFE];
	_ =	sdelay $0x1  }
0x8a: {  	s1 =	srdreg.scid  }
0x8b: {  	s0 =	sand.u32 $0x1, s1  }
0x8c: {  	s17 =	sshll.u32 s0, $0xA;
	s2 =	sadd.s32 s3, s2  }
0x8d: {  	s2 =	sadd.s32 s2, s17  }
0x8e: {  	[smem:$0x3FC6] =	sst s2  }
0x8f: {  	_ = 	snop  }
0x90: {  	s2 =	sld [smem:$0x3FD0];
	(tm) =	ssettm $0x1  }
0x91: {  	s18 =	sld [smem:$0x3FFB];
	_ =	sdelay $0x3  }
0x92: {  	_ =	strace s18  }
0x93: {  	s3 =	sld [smem:$0x3FFC];
	_ =	sdelay $0x3  }
0x94: {  	_ =	strace s3  }
0x95: {  	s3 =	sld [smem:$0x3FFD];
	_ =	sdelay $0x3  }
0x96: {  	_ =	strace s3  }
0x97: {  	_ =	strace $0x8FFFFFFF  }
0x98: {  	s19 =	sld [smem:$0x3FDB];
	_ =	sdelay $0x1  }
0x99: {  	s4 =	simm.s32 $_scs_section_size  }
0x9a: {  	s5 =	simm.s32 $_size__tile_overlayer_lowered;
	s6 =	simm.s32 $_tile_overlayer_lowered  }
0x9b: {  	s22 =	simm.s32 $0x1BFF;
	s21 =	sshll.u32 s6, $0x1;
	s3 =	sadd.s32 s4, s19  }
0x9c: {  	s7 =	simm.s32 $0x0;
	s20 =	sshll.u32 s5, $0x1;
	s5 =	sadd.s32 s21, s3  }
0x9d: {  	[timem:s7], [sflag:s22] =	dma.local [hbm:s5], s20  }
0x9e: {  	_ =	swait.ge [sflag:s22], s20  }
0x9f: {  	s4 =	ssub.s32 $0x0, s20;
	[sflag:s22] =	ssyncset.done $0x0  }
0xa0: {  	[sflag:s22] =	ssyncadd.s32 s4;
	_ =	sdelay $0x1  }
0xa1: {  	s23 =	simm.s32 $0x1B8B  }
0xa2: {  	_ =	swait.ge [sflag:s23], $0x1  }
0xa3: {  	[sflag:s23] =	ssyncset.done $0x0  }
0xa4: {  	s25 =	simm.s32 $0x1B8E;
	s24 =	sld [smem:$0x3FFE];
	[sflag:s23] =	ssyncadd.s32 $0xFFFFFFFF  }
0xa5: {  	s26 =	simm.s32 $execute0_lowered;
	[smem:$0x3FD2] =	sst s25  }
0xa6: {  	s5 =	sshll.u32 s26, $0x1;
	_ =	strace $0x80000046;
	[dreg:$0x1] =	wrdreg $0xFFFFFFFF  }
0xa7: {  	s28 =	simm.s32 $_size_execute0_lowered;
	s3 =	sadd.s32 s3, s5;
	[dreg:$0x0] =	wrdreg $0x0  }
0xa8: {  	s5 =	sshll.u32 s28, $0x1;
	[dreg:$0x2] =	wrdreg s3  }
0xa9: {  	[dreg:$0x3] =	wrdreg s5  }
0xaa: {  	[dreg:$0x4] =	wrdreg $0xC0  }
0xab: {  	_ =	task [dreg:s7], $0x5FFFF  }
0xac: {  	[dreg:$0x1] =	wrdreg $0xFFFFFFFF  }
0xad: {  	[dreg:$0x0] =	wrdreg $0x60  }
0xae: {  	[dreg:$0x2] =	wrdreg s24  }
0xaf: {  	[dreg:$0x3] =	wrdreg s2  }
0xb0: {  	[dreg:$0x4] =	wrdreg $0x9  }
0xb1: {  	_ =	task.clear_ibuf [dreg:s7], $0x5FFFF;
	_ =	strace $0x90000046  }
0xb2: {  	s29 =	simm.s32 $0x9;
	_ =	strace $0x80000048  }
0xb3: {  	_ =	swait.ge [sflag:s29], $0x1  }
0xb4: {  	[sflag:s29] =	ssyncadd.s32 $0xFFFFFFFF  }
0xb5: {  	_ =	strace $0x90000048  }
0xb6: {  	_ =	sfence  }
0xb7: {  	s30 =	sld [smem:$0x0];
	_ =	sdelay $0x2  }
0xb8: {  	s31 =	sshll.u32 s1, $0xD;
	s1 =	sshrl.u32 s1, $0x2  }
0xb9: {  	s3 =	sand.u32 $0x4000, s31;
	s1 =	sadd.s32 s1, s30  }
0xba: {  	s0 =	sor.u32 s3, s0;
	s1 =	sshll.u32 s1, $0x11  }
0xbb: {  	s0 =	sor.u32 s1, s0  }
0xbc: {  	s0 =	sadd.s32 $0x8F2B, s0  }
0xbd: {  	[sflag:s0] =	ssyncadd.remote.s32 $0x1  }
0xbe: {  	_ =	sfence.sel $0xFFFF  }
0xbf: {  	[dreg:$0x0] =	wrdreg $0xFFFFFFFF;
	(pc) =	sbr.abs _section_cstart, $3  }
0xc0: {  	[dreg:$0x1] =	wrdreg $0xFFFFFFFF  }
0xc1: {  	_ =	task.clear_ibuf [dreg:s7], $0x2FFFF;
	_ =	strace $0x9FFFFFFF  }
0xc2: {  	(tm) =	ssettm $0x7FFFFFFF  }
0xc3: {  	_ =	shalt  }
tec
execute0_lowered:
.L_overlay_start_1:
0x0: {  	(tag) =	ssettag $0x1  }
0x1: {  	s1 =	srdreg.scid;
	s5 =	rddreg [dreg:$0x0]  }
0x2: {  	s0 =	stileid.u32;
	s6 =	rddreg [dreg:$0x1]  }
0x3: {  	s2 =	simm.s32 $0x0;
	s10 =	simm.s32 $0x4400;
	s11 =	simm.s32 $0x5400  }
0x4: {  	s12 =	simm.s32 $0x6400;
	s13 =	simm.s32 $0x1;
	s14 =	simm.s32 $0x20  }
0x5: {  	s15 =	simm.s32 $0x340;
	s16 =	simm.s32 $0x0;
	s4 =	sand.u32 $0x1, s1  }
0x6: {  	s30 =	sshll.u32 s0, $0x1;
	s8 =	smul.u32 $0xD0000, s0;
	[smem:$0x7FF] =	sst s2  }
0x7: {  	s3 =	sadd.s32 $0x27AD000, s5;
	s1 =	sor.u32 s4, s30;
	s9 =	smul.u32 $0x68000, s4  }
0x8: {  	s4 =	ssub.s32 $0x2, s4;
	s7 =	smul.u32 $0x680, s1;
	s1 =	rddreg [dreg:$0x2]  }
0x9: {  	_ =	strace $0x80000047;
	s31 =	sshrl.u32 s4, $0x1;
	s8 =	sadd.s32 s9, s8  }
0xa: {  	s9 =	simm.s32 $0x3400;
	s5 =	sadd.s32 s7, s5;
	s7 =	ssub.s32 s4, s31  }
0xb: {  	s8 =	sshrl.u32 s8, $0x3;
	s4 =	sadd.s32 $0xC00, s5;
	s5 =	smax.u32 s7, $0x1  }
0xc: {  	s6 =	sadd.s32 s8, s6;
	s7 =	simm.s32 $0x2;
	s8 =	simm.s32 $0x80  }
.LBB2_1:
0xd: {  	[tilespmem:s2], [sflag:$0x2] =	stream.linear.gather [hbm4b:s4+s2], $0x3400, $0x38;
	[tilespmem:$0x7400] =	vst v63  }
0xe: {  	_ =	swait.ge [sflag:s7], $0x3400  }
0xf: {  	[sflag:s7] =	ssyncset.done $0x0  }
0x10: {  	[sflag:s7] =	ssyncadd.s32 $0xFFFFCC00  }
0x11: {  	[tilespmem:s9], [sflag:$0x1] =	stream.indirect.gather [hbm4b:s3+s8], $0x20, s2, s8, $0xb8;
	[tilespmem:$0x7400] =	vst v63  }
0x12: {  	s17 =	simm.s32 $0x80  }
0x13: {  	[tilespmem:s10], [sflag:$0x1] =	stream.indirect.gather [hbm4b:s3+s8], $0x20, s17, s8, $0xb8;
	[tilespmem:$0x7400] =	vst v63  }
0x14: {  	s29 =	simm.s32 $0x100  }
0x15: {  	[tilespmem:s11], [sflag:$0x1] =	stream.indirect.gather [hbm4b:s3+s8], $0x20, s29, s8, $0xb8;
	[tilespmem:$0x7400] =	vst v63  }
0x16: {  	s30 =	simm.s32 $0x180  }
0x17: {  	[tilespmem:s12], [sflag:$0x1] =	stream.indirect.gather [hbm4b:s3+s8], $0x20, s30, s8, $0xb8;
	[tilespmem:$0x7400] =	vst v63  }
0x18: {  	_ =	swait.ge [sflag:s13], $0x1000  }
0x19: {  	[sflag:s13] =	ssyncset.done $0x0  }
0x1a: {  	[sflag:s13] =	ssyncadd.s32 $0xFFFFF000  }
0x1b: {  	_ =	swait.ge [sflag:s13], $0x1000  }
0x1c: {  	[sflag:s13] =	ssyncset.done $0x0  }
0x1d: {  	[sflag:s13] =	ssyncadd.s32 $0xFFFFF000  }
0x1e: {  	_ =	swait.ge [sflag:s13], $0x1000  }
0x1f: {  	[sflag:s13] =	ssyncset.done $0x0  }
0x20: {  	[sflag:s13] =	ssyncadd.s32 $0xFFFFF000  }
0x21: {  	_ =	swait.ge [sflag:s13], $0x1000  }
0x22: {  	[sflag:s13] =	ssyncset.done $0x0  }
0x23: {  	s31 =	sadd.s32 $0x0, s6;
	[sflag:s13] =	ssyncadd.s32 $0xFFFFF000  }
0x24: {  	[hbm4b:s31+s14] =	stream.strided.scatter [tilespmem:s9], [sflag:$0x2], $0x4000, s15, s14, $0x38;
	[tilespmem:$0x7400] =	vst v63  }
0x25: {  	_ =	swait.ge [sflag:s7], $0x4000  }
0x26: {  	s18 =	simm.s32 $0x0;
	s17 =	simm.s32 $0x4;
	[sflag:s7] =	ssyncset.done $0x0  }
.LBB2_2:
0x27: {  	p0 =	sne.s32 s17, $0x64;
	[sflag:s7] =	ssyncadd.s32 $0xFFFFC000;
	s18 =	sadd.s32 $0x200, s18  }
0x28: {  	[tilespmem:s9], [sflag:$0x1] =	stream.indirect.gather [hbm4b:s3+s8], $0x20, s18, s8, $0xb8;
	[tilespmem:$0x7400] =	vst v63  }
0x29: {  	s20 =	smov.u32 s17;
	s17 =	sadd.s32 $0x4, s17;
	s19 =	sadd.s32 $0x80, s18  }
0x2a: {  	[tilespmem:s10], [sflag:$0x1] =	stream.indirect.gather [hbm4b:s3+s8], $0x20, s19, s8, $0xb8;
	[tilespmem:$0x7400] =	vst v63  }
0x2b: {  	s19 =	sadd.s32 $0x100, s18  }
0x2c: {  	[tilespmem:s11], [sflag:$0x1] =	stream.indirect.gather [hbm4b:s3+s8], $0x20, s19, s8, $0xb8;
	[tilespmem:$0x7400] =	vst v63  }
0x2d: {  	s19 =	sadd.s32 $0x180, s18  }
0x2e: {  	[tilespmem:s12], [sflag:$0x1] =	stream.indirect.gather [hbm4b:s3+s8], $0x20, s19, s8, $0xb8;
	[tilespmem:$0x7400] =	vst v63  }
0x2f: {  	_ =	swait.ge [sflag:s13], $0x1000  }
0x30: {  	[sflag:s13] =	ssyncset.done $0x0  }
0x31: {  	[sflag:s13] =	ssyncadd.s32 $0xFFFFF000  }
0x32: {  	_ =	swait.ge [sflag:s13], $0x1000  }
0x33: {  	[sflag:s13] =	ssyncset.done $0x0  }
0x34: {  	[sflag:s13] =	ssyncadd.s32 $0xFFFFF000  }
0x35: {  	_ =	swait.ge [sflag:s13], $0x1000  }
0x36: {  	[sflag:s13] =	ssyncset.done $0x0  }
0x37: {  	[sflag:s13] =	ssyncadd.s32 $0xFFFFF000  }
0x38: {  	_ =	swait.ge [sflag:s13], $0x1000  }
.Ltmp0:
0x39: {  	[sflag:s13] =	ssyncset.done $0x0;
	(pc) =	sbr.rel @p0 .LBB2_2-.Ltmp0, $4  }
0x3a: {  	s19 =	sadd.s32 s20, s6;
	[sflag:s13] =	ssyncadd.s32 $0xFFFFF000  }
0x3b: {  	[hbm4b:s19+s14] =	stream.strided.scatter [tilespmem:s9], [sflag:$0x2], $0x4000, s15, s14, $0x38;
	[tilespmem:$0x7400] =	vst v63  }
0x3c: {  	_ =	swait.ge [sflag:s7], $0x4000  }
0x3d: {  	[sflag:s7] =	ssyncset.done $0x0  }
0x3e: {  	s16 =	sadd.s32 $0x1, s16  }
0x3f: {  	p0 =	sne.s32 s16, s5  }
.Ltmp1:
0x40: {  	_ = 	snop;
	(pc) =	sbr.rel @p0 .LBB2_1-.Ltmp1, $2  }
0x41: {  	_ =	sdelay $0x2  }
0x42: {  	[sflag:s7] =	ssyncadd.s32 $0xFFFFC000  }
0x43: {  	_ =	sfence.sel $0x180000  }
0x44: {  	[bflag:$0x0] =	sbarrier.arrive $0xFFFF  }
0x45: {  	p0 =	sne.s32 s0, $0x0;
	_ =	strace $0x90000047  }
0x46: {  	s0 =	sadd.s32 @!p0 $0x100000, s1;
	[bflag:$0x2] =	sbarrier.arrive $0xFFFF  }
0x47: {  	[sflag:s0] =	ssyncadd.tile.s32 @!p0 $0x1;
	_ =	shalt  }
.Lfunc_end2:
_tile_overlayer_lowered:
.L_overlay_start_2:
0x48: {  	(tag) =	ssettag $0x2  }
0x49: {  	s0 =	rddreg [dreg:$0x0];
	s2 =	stileid.u32  }
0x4a: {  	s1 =	rddreg [dreg:$0x1];
	p0 =	sne.s32 s2, $0x0  }
0x4b: {  	s3 =	rddreg [dreg:$0x2];
	[bflag:$0x3] =	sbarrier.arrive $0xFFFF;
	s2 =	simm.s32 @!p0 $0x1C02  }
0x4c: {  	[timem:s3], [sflag:s2] =	dma.local @!p0 [hbm:s0], s1  }
0x4d: {  	s0 =	simm.s32 @!p0 $0x2  }
0x4e: {  	_ =	swait.ge @!p0 [sflag:s0], s1  }
0x4f: {  	s1 =	ssub.s32 @!p0 $0x0, s1;
	[sflag:s0] =	ssyncset.done @!p0 $0x0  }
0x50: {  	[sflag:s0] =	ssyncadd.s32 @!p0 s1  }
0x51: {  	[bflag:$0x3] =	sbarrier.arrive $0xFFFF  }
0x52: {  	_ =	shalt  }

// kernel: sparse-core-data-format-call.cloned.1.call-start
scs
called_computation_lowered:
.L_overlay_start_0:
0x0: {  	s2 =	sld [smem:$0x3FD9]  }
0x1: {  	s3 =	sld [smem:$0x3FFE];
	_ =	sdelay $0x1  }
0x2: {  	s1 =	srdreg.scid  }
0x3: {  	s0 =	sand.u32 $0x1, s1  }
0x4: {  	s18 =	sshll.u32 s0, $0xA;
	s2 =	sadd.s32 s3, s2  }
0x5: {  	s2 =	sadd.s32 s2, s18  }
0x6: {  	[smem:$0x3FC6] =	sst s2  }
0x7: {  	_ = 	snop  }
0x8: {  	s2 =	sld [smem:$0x3FD0];
	(tm) =	ssettm $0x1  }
0x9: {  	s19 =	sld [smem:$0x3FFB];
	_ =	sdelay $0x3  }
0xa: {  	_ =	strace s19  }
0xb: {  	s3 =	sld [smem:$0x3FFC];
	_ =	sdelay $0x3  }
0xc: {  	_ =	strace s3  }
0xd: {  	s3 =	sld [smem:$0x3FFD];
	_ =	sdelay $0x3  }
0xe: {  	_ =	strace s3  }
0xf: {  	_ =	strace $0x8FFFFFFF  }
0x10: {  	s20 =	sld [smem:$0x3FDB];
	_ =	sdelay $0x1  }
0x11: {  	s4 =	simm.s32 $_scs_section_size  }
0x12: {  	s5 =	simm.s32 $_size__tile_overlayer_lowered;
	s6 =	simm.s32 $_tile_overlayer_lowered  }
0x13: {  	s23 =	simm.s32 $0x1BFF;
	s22 =	sshll.u32 s6, $0x1;
	s3 =	sadd.s32 s4, s20  }
0x14: {  	s7 =	simm.s32 $0x0;
	s21 =	sshll.u32 s5, $0x1;
	s5 =	sadd.s32 s22, s3  }
0x15: {  	[timem:s7], [sflag:s23] =	dma.local [hbm:s5], s21  }
0x16: {  	_ =	swait.ge [sflag:s23], s21  }
0x17: {  	s4 =	ssub.s32 $0x0, s21;
	[sflag:s23] =	ssyncset.done $0x0  }
0x18: {  	[sflag:s23] =	ssyncadd.s32 s4;
	_ =	sdelay $0x1  }
0x19: {  	s24 =	simm.s32 $0x1B8B  }
0x1a: {  	_ =	swait.ge [sflag:s24], $0x1  }
0x1b: {  	[sflag:s24] =	ssyncset.done $0x0  }
0x1c: {  	s26 =	simm.s32 $0x1B8E;
	s25 =	sld [smem:$0x3FFE];
	[sflag:s24] =	ssyncadd.s32 $0xFFFFFFFF  }
0x1d: {  	s27 =	simm.s32 $execute0_lowered;
	[smem:$0x3FD2] =	sst s26  }
0x1e: {  	s5 =	sshll.u32 s27, $0x1;
	_ =	strace $0x80000049;
	[dreg:$0x1] =	wrdreg $0xFFFFFFFF  }
0x1f: {  	s28 =	simm.s32 $_size_execute0_lowered;
	s3 =	sadd.s32 s3, s5;
	[dreg:$0x0] =	wrdreg $0x0  }
0x20: {  	s5 =	sshll.u32 s28, $0x1;
	[dreg:$0x2] =	wrdreg s3  }
0x21: {  	[dreg:$0x3] =	wrdreg s5  }
0x22: {  	[dreg:$0x4] =	wrdreg $0xC0  }
0x23: {  	_ =	task [dreg:s7], $0x5FFFF  }
0x24: {  	[dreg:$0x1] =	wrdreg $0xFFFFFFFF  }
0x25: {  	[dreg:$0x0] =	wrdreg $0x60  }
0x26: {  	[dreg:$0x2] =	wrdreg s25  }
0x27: {  	[dreg:$0x3] =	wrdreg s2  }
0x28: {  	[dreg:$0x4] =	wrdreg $0x9  }
0x29: {  	_ =	task.clear_ibuf [dreg:s7], $0x5FFFF;
	_ =	strace $0x90000049  }
0x2a: {  	s29 =	simm.s32 $0x9;
	_ =	strace $0x8000004B  }
0x2b: {  	_ =	swait.ge [sflag:s29], $0x1  }
0x2c: {  	[sflag:s29] =	ssyncadd.s32 $0xFFFFFFFF  }
0x2d: {  	_ =	strace $0x9000004B  }
0x2e: {  	_ =	sfence  }
0x2f: {  	s30 =	sld [smem:$0x0];
	_ =	sdelay $0x2  }
0x30: {  	s31 =	sshll.u32 s1, $0xD;
	s1 =	sshrl.u32 s1, $0x2  }
0x31: {  	s3 =	sand.u32 $0x4000, s31;
	s1 =	sadd.s32 s1, s30  }
0x32: {  	s0 =	sor.u32 s3, s0;
	s1 =	sshll.u32 s1, $0x11  }
0x33: {  	s0 =	sor.u32 s1, s0  }
0x34: {  	s0 =	sadd.s32 $0x8F2B, s0  }
0x35: {  	[sflag:s0] =	ssyncadd.remote.s32 $0x1  }
0x36: {  	_ =	sfence.sel $0xFFFF  }
0x37: {  	[dreg:$0x0] =	wrdreg $0xFFFFFFFF;
	(pc) =	sbr.abs _section_cstart, $3  }
0x38: {  	[dreg:$0x1] =	wrdreg $0xFFFFFFFF  }
0x39: {  	_ =	task.clear_ibuf [dreg:s7], $0x2FFFF;
	_ =	strace $0x9FFFFFFF  }
0x3a: {  	(tm) =	ssettm $0x7FFFFFFF  }
0x3b: {  	_ =	shalt  }
tec
execute0_lowered:
.L_overlay_start_1:
0x0: {  	(tag) =	ssettag $0x1  }
0x1: {  	s0 =	srdreg.scid  }
0x2: {  	s1 =	sshll.u32 s0, $0x4  }
0x3: {  	s6 =	rddreg [dreg:$0x0];
	s0 =	stileid.u32;
	s1 =	sand.u32 $0x10, s1  }
0x4: {  	s3 =	rddreg [dreg:$0x1];
	s1 =	sor.u32 s0, s1  }
0x5: {  	s5 =	simm.s32 $0x1;
	s31 =	simm.s32 $0x2;
	s2 =	sshll.u32 s1, $0x7  }
0x6: {  	s15 =	simm.s32 $0x0;
	s8 =	simm.s32 $0x20000;
	s4 =	ssub.s32 $0x4000, s2  }
0x7: {  	s14 =	simm.s32 $0x0;
	s9 =	simm.s32 $0x0;
	s30 =	sand.u32 $0xF80, s4  }
0x8: {  	s10 =	simm.s32 $0x0;
	s11 =	simm.s32 $0x0;
	p0 =	sne.s32 s30, $0x0  }
.Ltmp0:
0x9: {  	s7 =	sshrl.u32 s4, $0xC;
	s5 =	simm.s32 @!p0 $0x0;
	(pc) =	sbr.rel .LBB1_1-.Ltmp0, $4  }
0xa: {  	s13 =	simm.s32 $0x0;
	s1 =	rddreg [dreg:$0x2];
	s5 =	sadd.s32 s5, s7  }
0xb: {  	_ =	strace $0x8000004A;
	s4 =	simm.s32 $0x1;
	s5 =	smul.u32 $0x7, s5  }
0xc: {  	s6 =	sadd.s32 $0xC00, s6;
	s12 =	smov.u32 s2;
	[sflag:s4] =	ssyncpa.u1 $0x0  }
0xd: {  	[sflag:s31] =	ssyncpa.u1 $0x0;
	p0 =	por $0x0, $0x0;
	s7 =	sadd.s32 $0x1, s5  }
.LBB1_4:
0xe: {  	s20 =	sshra.s32 s20, $0x2  }
0xf: {  	s28 =	sand.u32 $0x78, s10;
	s21 =	sshll.u32 s9, $0xE;
	s22 =	sshll.u32 s10, $0x3  }
0x10: {  	s24 =	sshll.u32 s9, $0x7;
	p1 =	sgt.s32 s9, $0x2C0;
	s30 =	sshra.s32 s9, $0x1F  }
0x11: {  	s26 =	sshra.s32 s10, $0x1F;
	s19 =	sadd.s32 s20, s19;
	s21 =	sand.u32 $0xFFFE0000, s21  }
0x12: {  	v5 =	vld [tilespmem:s17+$0xFFFFFFD0];
	[tilespmem:s18+$0x2040 ss:$0x81] =	vst.msk $0xffff, v4;
	s23 =	sand.u32 $0xFFFFFC00, s22;
	s29 =	sand.u32 $0x380, s24;
	s22 =	sand.u32 $0x3C00, s22  }
0x13: {  	v58 =	vld [tilespmem:s17+$0xFFFFFFE0];
	[tilespmem:s18+$0x2850 ss:$0x81] =	vst.msk $0xffff, v3;
	s21 =	sadd.s32 s23, s21;
	s20 =	sor.u32 s28, s22;
	s22 =	smov.u32 s9  }
0x14: {  	v59 =	vld [tilespmem:s17+$0xFFFFFFF0];
	[tilespmem:s18+$0x3060 ss:$0x81] =	vst.msk $0xffff, v2;
	s24 =	sand.u32 s30, s9;
	s21 =	sshrl.u32 s21, $0xE;
	s22 =	simm.s32 @!p1 $0x2C0  }
0x15: {  	v60 =	vld [tilespmem:s17+$0x0];
	[tilespmem:s18+$0x0 ss:$0x81] =	vst.msk $0xffff, v1;
	p1 =	sgt.s32 s10, $0x3F80;
	s31 =	ssub.s32 s22, s24;
	s22 =	smov.u32 s10  }
0x16: {  	v61 =	vld [tilespmem:s17+$0x10];
	[tilespmem:s19+$0x3870 ss:$0x81] =	vst.msk $0xffff, v0;
	s25 =	smulhi.u32 $0x4EC4ED, s21;
	s24 =	sand.u32 s26, s10;
	s22 =	simm.s32 @!p1 $0x3F80  }
0x17: {  	v62 =	vld [tilespmem:s17+$0x20];
	s20 =	sor.u32 s29, s20;
	[tilespmem:s19+$0x810 ss:$0x81] =	vst.msk $0xffff, v5;
	s27 =	sadd.s32 $0xFFFFFD40, s31;
	s22 =	ssub.s32 s22, s24  }
0x18: {  	v63 =	vld [tilespmem:s17+$0xFFFFFFC0];
	[tilespmem:s19+$0x1020 ss:$0x81] =	vst.msk $0xffff, v58;
	s18 =	ssub.s32 $0x340, s31;
	s28 =	smul.u32 $0x340, s25;
	s29 =	sadd.s32 $0xFFFFC080, s22  }
0x19: {  	[tilespmem:s19+$0x1830 ss:$0x81] =	vst.msk $0xffff, v59;
	p1 =	sgt.s32 s27, $0x7F;
	s22 =	ssub.s32 $0x4000, s22;
	p2 =	sgt.s32 s29, $0x7F  }
0x1a: {  	s30 =	sand.u32 $0x7, s10;
	[tilespmem:s19+$0x2040 ss:$0x81] =	vst.msk $0xffff, v60;
	s18 =	simm.s32 @p1 $0x0;
	s22 =	simm.s32 @p2 $0x0  }
0x1b: {  	s20 =	sshrl.u32 s20, $0x3;
	[tilespmem:s19+$0x2850 ss:$0x81] =	vst.msk $0xffff, v61;
	s17 =	ssub.s32 s21, s28;
	s18 =	smul.u32 s22, s18  }
0x1c: {  	[tilespmem:s19+$0x3060 ss:$0x81] =	vst.msk $0xffff, v62;
	s20 =	sadd.s32 s3, s20;
	s21 =	sshll.u32 s30, $0x12;
	s17 =	sshll.u32 s17, $0xB  }
0x1d: {  	[tilespmem:s19+$0x0 ss:$0x81] =	vst.msk $0xffff, v63;
	s31 =	sor.u32 $0x400, s21;
	s17 =	sadd.s32 s17, s20;
	s18 =	sand.u32 $0x3FFFFFFF, s18  }
0x1e: {  	[hbm4b:s17+s31] =	stream.strided.scatter [tilespmem:s16], [sflag:$0x2], s18, s8, s31, $0x20;
	[tilespmem:$0x10100] =	vst v63  }
.LBB1_5:
0x1f: {  	p1 =	slt.u32 s13, $0x2  }
0x20: {  	s17 =	smov.u32 s15;
	p2 =	sgt.s32 @!p1 s15, $0x2C0;
	s16 =	sshra.s32 @!p1 s15, $0x1F  }
0x21: {  	p3 =	sgt.s32 @!p1 s14, $0x3F80;
	s18 =	sshra.s32 @!p1 s14, $0x1F;
	p2 =	por !p2, p1  }
0x22: {  	s15 =	sand.u32 @!p1 s16, s15;
	p3 =	por !p3, p1;
	s16 =	smov.u32 s14  }
0x23: {  	s14 =	sand.u32 @!p1 s18, s14;
	s17 =	simm.s32 @p2 $0x2C0;
	s16 =	simm.s32 @p3 $0x3F80  }
0x24: {  	s15 =	ssub.s32 @!p1 s17, s15;
	s14 =	ssub.s32 @!p1 s16, s14  }
0x25: {  	s18 =	smov.u32 s12;
	s16 =	sadd.s32 @!p1 $0xFFFFFD40, s15;
	s17 =	sadd.s32 @!p1 $0xFFFFC080, s14  }
0x26: {  	s15 =	ssub.s32 @!p1 $0x340, s15;
	p2 =	sgt.s32 @!p1 s16, $0x7F;
	p3 =	sgt.s32 @!p1 s17, $0x7F  }
0x27: {  	s14 =	ssub.s32 @!p1 $0x4000, s14;
	p2 =	por !p2, p1;
	p3 =	por !p3, p1  }
0x28: {  	s16 =	sadd.s32 $0x80, s11;
	s15 =	simm.s32 @!p2 $0x0;
	s14 =	simm.s32 @!p3 $0x0  }
0x29: {  	p2 =	sgt.s32 s16, $0x33F;
	s14 =	smul.u32 @!p1 s14, s15;
	s15 =	sadd.s32 $0x1000, s12  }
0x2a: {  	s18 =	smov.u32 @p2 s15  }
0x2b: {  	s16 =	simm.s32 @p2 $0x0;
	p2 =	sgt.s32 s18, $0x3FFF  }
0x2c: {  	s18 =	smov.u32 @p2 s2;
	p2 =	sne.s32 s13, s7  }
.Ltmp1:
0x2d: {  	p0 =	por !p0, !p0;
	s17 =	simm.s32 @!p1 $0x2;
	(pc) =	sbr.rel @!p2 .LBB1_6-.Ltmp1, $4  }
0x2e: {  	s15 =	smov.u32 s9;
	s9 =	smov.u32 s11;
	s14 =	sand.u32 @!p1 $0x3FFFFFFF, s14  }
0x2f: {  	s11 =	smov.u32 s16;
	_ =	swait.ge @!p1 [sflag:s17], s14;
	s19 =	ssub.s32 @!p1 $0x0, s14  }
0x30: {  	s14 =	smov.u32 s10;
	s13 =	sadd.s32 $0x1, s13;
	[sflag:s17] =	ssyncset.done @!p1 $0x0  }
0x31: {  	s10 =	smov.u32 s12;
	s12 =	smov.u32 s18;
	[sflag:s17] =	ssyncadd.s32 @!p1 s19  }
.LBB1_1:
0x32: {  	p1 =	sge.u32 s13, s5  }
0x33: {  	s16 =	sshrl.u32 @!p1 s12, $0x3  }
0x34: {  	s17 =	sshll.u32 @!p1 s11, $0x3;
	s16 =	smul.u32 @!p1 $0x1C00, s16  }
0x35: {  	s18 =	sshll.u32 @!p1 s12, $0x7;
	s17 =	sand.u32 @!p1 $0xFFFFFC00, s17  }
0x36: {  	s16 =	sadd.s32 @!p1 s16, s17;
	s17 =	sand.u32 @!p1 $0x380, s18  }
0x37: {  	s16 =	sor.u32 @!p1 s17, s16  }
0x38: {  	s17 =	sshrl.u32 @!p1 s16, $0x7  }
0x39: {  	s17 =	smulhi.u32 @!p1 $0x24924925, s17;
	_ =	sdelay $0x1  }
0x3a: {  	s18 =	sand.u32 @!p1 $0x7F, s11;
	s19 =	smul.u32 @!p1 $0x380, s17  }
0x3b: {  	s31 =	sadd.s32 $0xFFFFFFFF, s13;
	s16 =	sor.u32 @!p1 s18, s16;
	s18 =	sxor.u32 @!p1 $0xFFFFFFFF, s13  }
0x3c: {  	s18 =	sshll.u32 @!p1 s18, $0xE;
	s17 =	sand.u32 @!p1 $0x3FFF, s17;
	s16 =	ssub.s32 @!p1 s16, s19  }
0x3d: {  	s17 =	smul.u32 @!p1 $0x70, s17;
	s19 =	sshrl.u32 @!p1 s16, $0x3;
	s16 =	sand.u32 @!p1 $0x7, s16  }
0x3e: {  	s18 =	sand.u32 @!p1 $0x4000, s18;
	s19 =	sadd.s32 @!p1 s6, s19;
	s16 =	sshll.u32 @!p1 s16, $0x12  }
0x3f: {  	s17 =	sadd.s32 @!p1 s17, s19;
	s16 =	sor.u32 @!p1 $0x400, s16;
	s19 =	simm.s32 @!p1 $0x1C00  }
0x40: {  	[tilespmem:s18], [sflag:$0x1] =	stream.strided.gather @!p1 [hbm4b:s17+s16], $0x4000, s19, s16, $0x38;
	[tilespmem:$0x10100] =	vst v63  }
0x41: {  	p1 =	sge.u32 s31, s5  }
.Ltmp2:
0x42: {  	_ = 	snop;
	(pc) =	sbr.rel @p1 .LBB1_5-.Ltmp2, $1  }
0x43: {  	_ =	sdelay $0x3  }
0x44: {  	s16 =	simm.s32 $0x1  }
0x45: {  	_ =	swait.ge [sflag:s4], $0x4000;
	s16 =	simm.s32 @!p0 $0x0  }
0x46: {  	[sflag:s4] =	ssyncset.done $0x0;
	s17 =	sshll.u32 s16, $0xE  }
0x47: {  	[sflag:s4] =	ssyncadd.s32 $0xFFFFC000;
	s17 =	sor.u32 $0x40, s17  }
0x48: {  	s16 =	smul.u32 $0x10200, s16;
	v0 =	vld [tilespmem:s17+$0x30]  }
0x49: {  	v1 =	vld [tilespmem:s17+$0xFFFFFFD0]  }
0x4a: {  	s16 =	sshrl.u32 s16, $0x2;
	v5 =	vld [tilespmem:s17+$0xFFFFFFE0]  }
0x4b: {  	v6 =	vld [tilespmem:s17+$0xFFFFFFF0];
	s19 =	sor.u32 $0x8000, s16  }
0x4c: {  	s31 =	sand.u32 $0x1, s13;
	v4 =	vld [tilespmem:s17+$0x0];
	s18 =	sadd.s32 $0x0, s19  }
0x4d: {  	v3 =	vld [tilespmem:s17+$0x10];
	s16 =	smul.u32 $0x10200, s31;
	[tilespmem:s18+$0x3870 ss:$0x81] =	vst.msk $0xffff, v0  }
0x4e: {  	v2 =	vld [tilespmem:s17+$0x20];
	[tilespmem:s18+$0x810 ss:$0x81] =	vst.msk $0xffff, v1  }
0x4f: {  	s16 =	sshrl.u32 s16, $0x2;
	v1 =	vld [tilespmem:s17+$0xFFFFFFC0];
	[tilespmem:s18+$0x1020 ss:$0x81] =	vst.msk $0xffff, v5;
	s17 =	sadd.s32 $0x80, s17  }
0x50: {  	s20 =	simm.s32 $0x4;
	s21 =	simm.s32 $0x8;
	s16 =	sor.u32 $0x8000, s16;
	[tilespmem:s18+$0x1830 ss:$0x81] =	vst.msk $0xffff, v6;
	v0 =	vld [tilespmem:s17+$0x30]  }
.LBB1_3:
0x51: {  	p1 =	sne.s32 s21, $0x1FC;
	v5 =	vld [tilespmem:s17+$0xFFFFFFD0];
	[tilespmem:s18+$0x2040 ss:$0x81] =	vst.msk $0xffff, v4  }
0x52: {  	v6 =	vld [tilespmem:s17+$0xFFFFFFE0];
	[tilespmem:s18+$0x2850 ss:$0x81] =	vst.msk $0xffff, v3  }
0x53: {  	s22 =	sshra.s32 s20, $0x2;
	s20 =	smov.u32 s21;
	v7 =	vld [tilespmem:s17+$0xFFFFFFF0];
	[tilespmem:s18+$0x3060 ss:$0x81] =	vst.msk $0xffff, v2  }
.Ltmp3:
0x54: {  	v4 =	vld [tilespmem:s17+$0x0];
	[tilespmem:s18+$0x0 ss:$0x81] =	vst.msk $0xffff, v1;
	s18 =	sadd.s32 s22, s19;
	(pc) =	sbr.rel @p1 .LBB1_3-.Ltmp3, $4  }
0x55: {  	v3 =	vld [tilespmem:s17+$0x10];
	[tilespmem:s18+$0x3870 ss:$0x81] =	vst.msk $0xffff, v0  }
0x56: {  	[tilespmem:s18+$0x810 ss:$0x81] =	vst.msk $0xffff, v5;
	v2 =	vld [tilespmem:s17+$0x20]  }
0x57: {  	v1 =	vld [tilespmem:s17+$0xFFFFFFC0];
	[tilespmem:s18+$0x1020 ss:$0x81] =	vst.msk $0xffff, v6;
	s17 =	sadd.s32 $0x80, s17  }
0x58: {  	s21 =	sadd.s32 $0x4, s21;
	v0 =	vld [tilespmem:s17+$0x30];
	[tilespmem:s18+$0x1830 ss:$0x81] =	vst.msk $0xffff, v7  }
.Ltmp4:
0x59: {  	_ = 	snop;
	(pc) =	sbr.rel .LBB1_4-.Ltmp4, $1  }
0x5a: {  	_ =	sdelay $0x3  }
.LBB1_6:
0x5b: {  	_ =	sfence.sel $0x180000  }
0x5c: {  	s2 =	simm.s32 $0x1;
	[bflag:$0x0] =	sbarrier.arrive $0xFFFF  }
0x5d: {  	s31 =	simm.s32 $0x2;
	[sflag:s2] =	ssyncpa.u1 $0x1  }
0x5e: {  	[sflag:s31] =	ssyncpa.u1 $0x1  }
0x5f: {  	p0 =	sne.s32 s0, $0x0;
	_ =	strace $0x9000004A  }
0x60: {  	s0 =	sadd.s32 @!p0 $0x100000, s1;
	[bflag:$0x2] =	sbarrier.arrive $0xFFFF  }
0x61: {  	[sflag:s0] =	ssyncadd.tile.s32 @!p0 $0x1;
	_ =	shalt  }
.Lfunc_end1:
_tile_overlayer_lowered:
.L_overlay_start_2:
0x62: {  	(tag) =	ssettag $0x2  }
0x63: {  	s0 =	rddreg [dreg:$0x0];
	s2 =	stileid.u32  }
0x64: {  	s1 =	rddreg [dreg:$0x1];
	p0 =	sne.s32 s2, $0x0  }
0x65: {  	s3 =	rddreg [dreg:$0x2];
	[bflag:$0x3] =	sbarrier.arrive $0xFFFF;
	s2 =	simm.s32 @!p0 $0x1C01  }
0x66: {  	[timem:s3], [sflag:s2] =	dma.local @!p0 [hbm:s0], s1  }
0x67: {  	s0 =	simm.s32 @!p0 $0x1  }
0x68: {  	_ =	swait.ge @!p0 [sflag:s0], s1  }
0x69: {  	s1 =	ssub.s32 @!p0 $0x0, s1;
	[sflag:s0] =	ssyncset.done @!p0 $0x0  }
0x6a: {  	[sflag:s0] =	ssyncadd.s32 @!p0 s1  }
0x6b: {  	[bflag:$0x3] =	sbarrier.arrive $0xFFFF  }
0x6c: {  	_ =	shalt  }

</sc_bundles>
